<compile_context>
chip_gen: v7x
topology: tpu7x:2x2x1
jax: 0.10.2.dev20260603
libtpu: 0.0.44.dev20260713+nightly
codegen_flags: <defaults>
</compile_context>

<pallas_src>
import numpy as np
import jax
import jax.numpy as jnp
from jax.experimental import pallas as pl
from jax.experimental.pallas import tpu as pltpu

_HW = 512 * 512
_K = 2048
_NZ = 200
_ZS_NP = np.arange(10, 2001, 10).astype(np.int32)
_BLK = 128
_NBLK = _K // _BLK


def _acc_seeds_kernel(tv_r, tv_c, ti_r, ti_c, tf_c,
                      bv_r, bv_c, bi_r, bi_c, bf_c,
                      zs_ref, af_ref, ab_ref, t_top, t_bot):
    zs = zs_ref[...]

    def fill_ranks(v_r_ref, v_c_ref, i_r_ref, i_c_ref, t_ref, top_side):
        v_row = v_r_ref[...]
        i_row = i_r_ref[...]

        def body(b, carry):
            vb = v_c_ref[pl.ds(b * _BLK, _BLK), :]
            ib = i_c_ref[pl.ds(b * _BLK, _BLK), :]
            if top_side:
                beats = (v_row > vb) | ((v_row == vb) & (i_row > ib))
            else:
                beats = (v_row < vb) | ((v_row == vb) & (i_row < ib))
            tb = jnp.sum(beats.astype(jnp.float32), axis=1, keepdims=True)
            t_ref[pl.ds(b * _BLK, _BLK), :] = tb
            return carry

        jax.lax.fori_loop(0, _NBLK, body, 0)

    fill_ranks(tv_r, tv_c, ti_r, ti_c, t_top, True)
    fill_ranks(bv_r, bv_c, bi_r, bi_c, t_bot, False)

    tt = t_top[...]
    tb = t_bot[...]
    mem_t = (tt < zs).astype(jnp.float32)
    mem_b = (tb < zs).astype(jnp.float32)
    s_top = jnp.sum(mem_t * tf_c[...], axis=0, keepdims=True)
    s_bot = jnp.sum(mem_b * bf_c[...], axis=0, keepdims=True)
    af_ref[...] = 100.0 * s_top / zs
    ab_ref[...] = 100.0 * s_bot / zs


@jax.jit
def kernel(cam, true_mask):
    cam_flat = cam.reshape(_HW)
    forg = true_mask.reshape(_HW)
    backg = 1.0 - forg

    tv, ti = jax.lax.top_k(cam_flat, _K)
    nbv, bi = jax.lax.top_k(-cam_flat, _K)
    bv = -nbv
    tf = forg[ti]
    bf = backg[bi]

    zs = jnp.asarray(_ZS_NP, dtype=jnp.float32).reshape(1, _NZ)

    af, ab = pl.pallas_call(
        _acc_seeds_kernel,
        out_shape=[jax.ShapeDtypeStruct((1, _NZ), jnp.float32),
                   jax.ShapeDtypeStruct((1, _NZ), jnp.float32)],
        scratch_shapes=[pltpu.VMEM((_K, 1), jnp.float32),
                        pltpu.VMEM((_K, 1), jnp.float32)],
    )(tv.reshape(1, _K), tv.reshape(_K, 1),
      ti.reshape(1, _K), ti.reshape(_K, 1), tf.reshape(_K, 1),
      bv.reshape(1, _K), bv.reshape(_K, 1),
      bi.reshape(1, _K), bi.reshape(_K, 1), bf.reshape(_K, 1),
      zs)

    return (af.reshape(_NZ), ab.reshape(_NZ), jnp.asarray(_ZS_NP))

# --- scband reference (transcript-rebuilt; emitter-appended) ---
"""Pipeline reference for scband-acc-seeds-73701638800091 (READ-ONLY COPY).

The authoritative reference and input builder live on the scoring server;
editing this copy changes nothing except your own understanding.
"""

import jax, jax.numpy as jnp
import numpy as np

MAX_NS = 2000
STEP = 10
N_SEEDS = np.arange(10, MAX_NS + STEP, STEP)  # 200 entries, matches list(range(10, max_ns+step, step))


def setup_inputs(seed: int = 0) -> dict:
    key = jax.random.key(seed)
    k1, k2 = jax.random.split(key)
    cam = jax.random.normal(k1, (1, 1, 512, 512), dtype=jnp.float32)
    true_mask = jax.random.randint(k2, (1, 1, 512, 512), 0, 2).astype(jnp.float32)
    return {"cam": cam, "true_mask": true_mask}


def _acc_seeds(cam, true_mask):
    n, c, h, w = cam.shape
    hw = h * w
    cam_flat = cam.reshape(hw)
    # torch.sort(..., descending=False) -> ascending order indices
    idx = jnp.argsort(cam_flat)
    # rank[p] = position of pixel p in the ascending sort
    ranks = jnp.zeros(hw, dtype=jnp.int32).at[idx].set(jnp.arange(hw, dtype=jnp.int32))
    forg = true_mask.reshape(hw)
    backg = 1.0 - forg
    zs = jnp.asarray(N_SEEDS, dtype=jnp.int32)

    def body(carry, z):
        # holder[idx[-z:]] = 1  <=> rank >= hw - z  (top-z scores)
        holder = (ranks >= (hw - z)).astype(jnp.float32)
        # holder_bg[idx[:z]] = 1 <=> rank < z  (bottom-z scores)
        holder_bg = (ranks < z).astype(jnp.float32)
        outer = holder + holder_bg
        holder = jnp.where(outer == 2.0, 0.0, holder)
        holder_bg = jnp.where(outer == 2.0, 0.0, holder_bg)
        af = 100.0 * (holder * forg).sum() / holder.sum()
        ab = 100.0 * (holder_bg * backg).sum() / holder_bg.sum()
        return carry, (af, ab)

    _, (acc_forg, acc_backg) = jax.lax.scan(body, None, zs)
    return acc_forg, acc_backg


def reference(cam, true_mask):
    acc_forg, acc_backg = _acc_seeds(cam, true_mask)
    return (acc_forg, acc_backg, jnp.asarray(N_SEEDS))

if __name__ == "__main__":
    import jax
    _d = setup_inputs()
    print(jax.jit(kernel)(*tuple(_d.values())))

</pallas_src>

<mosaic_0001>
module attributes {stable_mosaic.version = 14 : i64} {
  func.func @_acc_seeds_kernel(%arg0: memref<1x2048xf32, #tpu.memory_space<vmem>>, %arg1: memref<2048x1xf32, #tpu.memory_space<vmem>>, %arg2: memref<1x2048xi32, #tpu.memory_space<vmem>>, %arg3: memref<2048x1xi32, #tpu.memory_space<vmem>>, %arg4: memref<2048x1xf32, #tpu.memory_space<vmem>>, %arg5: memref<1x2048xf32, #tpu.memory_space<vmem>>, %arg6: memref<2048x1xf32, #tpu.memory_space<vmem>>, %arg7: memref<1x2048xi32, #tpu.memory_space<vmem>>, %arg8: memref<2048x1xi32, #tpu.memory_space<vmem>>, %arg9: memref<2048x1xf32, #tpu.memory_space<vmem>>, %arg10: memref<1x200xf32, #tpu.memory_space<vmem>>, %arg11: memref<1x200xf32, #tpu.memory_space<vmem>>, %arg12: memref<1x200xf32, #tpu.memory_space<vmem>>, %arg13: memref<2048x1xf32, #tpu.memory_space<vmem>>, %arg14: memref<2048x1xf32, #tpu.memory_space<vmem>>) attributes {dimension_semantics = [], scalar_prefetch = 0 : i64, scratch_operands = 2 : i64, tpu.core_type = #tpu.core_type<tc>} {
    %get3A = arith.constant 0 : index
    %get3A_0 = arith.constant 0 : index
    %get3A_1 = vector.load %arg10[%get3A, %get3A_0] : memref<1x200xf32, #tpu.memory_space<vmem>>, vector<1x200xf32>
    %get3A_2 = arith.constant 0 : index
    %get3A_3 = arith.constant 0 : index
    %get3A_4 = vector.load %arg0[%get3A_2, %get3A_3] : memref<1x2048xf32, #tpu.memory_space<vmem>>, vector<1x2048xf32>
    %get3A_5 = arith.constant 0 : index
    %get3A_6 = arith.constant 0 : index
    %get3A_7 = vector.load %arg2[%get3A_5, %get3A_6] : memref<1x2048xi32, #tpu.memory_space<vmem>>, vector<1x2048xi32>
    %scan3A = arith.constant 0 : i32
    %scan3A_8 = arith.constant 16 : i32
    %scan3A_9 = arith.addi %scan3A, %scan3A_8 : i32
    %scan3A_10 = arith.constant 1 : i32
    scf.for %scan3A_62 = %scan3A to %scan3A_9 step %scan3A_10  : i32 {
      %mul3A_63 = arith.constant 128 : i32
      %mul3A_64 = arith.muli %scan3A_62, %mul3A_63 : i32
      %get3A_65 = arith.index_cast %mul3A_64 : i32 to index
      %get3A_66 = arith.constant 0 : index
      %get3A_67 = vector.load %arg1[%get3A_65, %get3A_66] : memref<2048x1xf32, #tpu.memory_space<vmem>>, vector<128x1xf32>
      %mul3A_68 = arith.constant 128 : i32
      %mul3A_69 = arith.muli %scan3A_62, %mul3A_68 : i32
      %get3A_70 = arith.index_cast %mul3A_69 : i32 to index
      %get3A_71 = arith.constant 0 : index
      %get3A_72 = vector.load %arg3[%get3A_70, %get3A_71] : memref<2048x1xi32, #tpu.memory_space<vmem>>, vector<128x1xi32>
      %gt3A = vector.broadcast %get3A_4 : vector<1x2048xf32> to vector<128x2048xf32>
      %gt3A_73 = vector.broadcast %get3A_67 : vector<128x1xf32> to vector<128x2048xf32>
      %gt3A_74 = arith.cmpf ogt, %gt3A, %gt3A_73 : vector<128x2048xf32>
      %eq3A = vector.broadcast %get3A_4 : vector<1x2048xf32> to vector<128x2048xf32>
      %eq3A_75 = vector.broadcast %get3A_67 : vector<128x1xf32> to vector<128x2048xf32>
      %eq3A_76 = arith.cmpf oeq, %eq3A, %eq3A_75 : vector<128x2048xf32>
      %gt3A_77 = vector.broadcast %get3A_7 : vector<1x2048xi32> to vector<128x2048xi32>
      %gt3A_78 = vector.broadcast %get3A_72 : vector<128x1xi32> to vector<128x2048xi32>
      %gt3A_79 = arith.cmpi sgt, %gt3A_77, %gt3A_78 : vector<128x2048xi32>
      %and3A = arith.andi %eq3A_76, %gt3A_79 : vector<128x2048xi1>
      %or3A = arith.ori %gt3A_74, %and3A : vector<128x2048xi1>
      %convert_element_type3A_80 = arith.extui %or3A : vector<128x2048xi1> to vector<128x2048xi32>
      %convert_element_type3A_81 = arith.sitofp %convert_element_type3A_80 : vector<128x2048xi32> to vector<128x2048xf32>
      %reduce_sum3A_82 = arith.constant dense<0.000000e+00> : vector<128xf32>
      %reduce_sum3A_83 = vector.multi_reduction <add>, %convert_element_type3A_81, %reduce_sum3A_82 [1] : vector<128x2048xf32> to vector<128xf32>
      %broadcast_in_dim3A_84 = vector.shape_cast %reduce_sum3A_83 : vector<128xf32> to vector<128x1xf32>
      %mul3A_85 = arith.constant 128 : i32
      %mul3A_86 = arith.muli %scan3A_62, %mul3A_85 : i32
      %swap3A_87 = arith.index_cast %mul3A_86 : i32 to index
      %swap3A_88 = arith.constant 0 : index
      %swap3A_89 = vector.load %arg13[%swap3A_87, %swap3A_88] : memref<2048x1xf32, #tpu.memory_space<vmem>>, vector<128x1xf32>
      tpu.vector_store %arg13[%swap3A_87, %swap3A_88], %broadcast_in_dim3A_84 {strides = array<i32>} : memref<2048x1xf32, #tpu.memory_space<vmem>>, vector<128x1xf32>,
    }
    %scan3A_11 = arith.constant 16 : i32
    %get3A_12 = arith.constant 0 : index
    %get3A_13 = arith.constant 0 : index
    %get3A_14 = vector.load %arg5[%get3A_12, %get3A_13] : memref<1x2048xf32, #tpu.memory_space<vmem>>, vector<1x2048xf32>
    %get3A_15 = arith.constant 0 : index
    %get3A_16 = arith.constant 0 : index
    %get3A_17 = vector.load %arg7[%get3A_15, %get3A_16] : memref<1x2048xi32, #tpu.memory_space<vmem>>, vector<1x2048xi32>
    %scan3A_18 = arith.constant 0 : i32
    %scan3A_19 = arith.constant 16 : i32
    %scan3A_20 = arith.addi %scan3A_18, %scan3A_19 : i32
    %scan3A_21 = arith.constant 1 : i32
    scf.for %scan3A_62 = %scan3A_18 to %scan3A_20 step %scan3A_21  : i32 {
      %mul3A_63 = arith.constant 128 : i32
      %mul3A_64 = arith.muli %scan3A_62, %mul3A_63 : i32
      %get3A_65 = arith.index_cast %mul3A_64 : i32 to index
      %get3A_66 = arith.constant 0 : index
      %get3A_67 = vector.load %arg6[%get3A_65, %get3A_66] : memref<2048x1xf32, #tpu.memory_space<vmem>>, vector<128x1xf32>
      %mul3A_68 = arith.constant 128 : i32
      %mul3A_69 = arith.muli %scan3A_62, %mul3A_68 : i32
      %get3A_70 = arith.index_cast %mul3A_69 : i32 to index
      %get3A_71 = arith.constant 0 : index
      %get3A_72 = vector.load %arg8[%get3A_70, %get3A_71] : memref<2048x1xi32, #tpu.memory_space<vmem>>, vector<128x1xi32>
      %lt3A_73 = vector.broadcast %get3A_14 : vector<1x2048xf32> to vector<128x2048xf32>
      %lt3A_74 = vector.broadcast %get3A_67 : vector<128x1xf32> to vector<128x2048xf32>
      %lt3A_75 = arith.cmpf olt, %lt3A_73, %lt3A_74 : vector<128x2048xf32>
      %eq3A = vector.broadcast %get3A_14 : vector<1x2048xf32> to vector<128x2048xf32>
      %eq3A_76 = vector.broadcast %get3A_67 : vector<128x1xf32> to vector<128x2048xf32>
      %eq3A_77 = arith.cmpf oeq, %eq3A, %eq3A_76 : vector<128x2048xf32>
      %lt3A_78 = vector.broadcast %get3A_17 : vector<1x2048xi32> to vector<128x2048xi32>
      %lt3A_79 = vector.broadcast %get3A_72 : vector<128x1xi32> to vector<128x2048xi32>
      %lt3A_80 = arith.cmpi slt, %lt3A_78, %lt3A_79 : vector<128x2048xi32>
      %and3A = arith.andi %eq3A_77, %lt3A_80 : vector<128x2048xi1>
      %or3A = arith.ori %lt3A_75, %and3A : vector<128x2048xi1>
      %convert_element_type3A_81 = arith.extui %or3A : vector<128x2048xi1> to vector<128x2048xi32>
      %convert_element_type3A_82 = arith.sitofp %convert_element_type3A_81 : vector<128x2048xi32> to vector<128x2048xf32>
      %reduce_sum3A_83 = arith.constant dense<0.000000e+00> : vector<128xf32>
      %reduce_sum3A_84 = vector.multi_reduction <add>, %convert_element_type3A_82, %reduce_sum3A_83 [1] : vector<128x2048xf32> to vector<128xf32>
      %broadcast_in_dim3A_85 = vector.shape_cast %reduce_sum3A_84 : vector<128xf32> to vector<128x1xf32>
      %mul3A_86 = arith.constant 128 : i32
      %mul3A_87 = arith.muli %scan3A_62, %mul3A_86 : i32
      %swap3A_88 = arith.index_cast %mul3A_87 : i32 to index
      %swap3A_89 = arith.constant 0 : index
      %swap3A_90 = vector.load %arg14[%swap3A_88, %swap3A_89] : memref<2048x1xf32, #tpu.memory_space<vmem>>, vector<128x1xf32>
      tpu.vector_store %arg14[%swap3A_88, %swap3A_89], %broadcast_in_dim3A_85 {strides = array<i32>} : memref<2048x1xf32, #tpu.memory_space<vmem>>, vector<128x1xf32>,
    }
    %scan3A_22 = arith.constant 16 : i32
    %get3A_23 = arith.constant 0 : index
    %get3A_24 = arith.constant 0 : index
    %get3A_25 = vector.load %arg13[%get3A_23, %get3A_24] : memref<2048x1xf32, #tpu.memory_space<vmem>>, vector<2048x1xf32>
    %get3A_26 = arith.constant 0 : index
    %get3A_27 = arith.constant 0 : index
    %get3A_28 = vector.load %arg14[%get3A_26, %get3A_27] : memref<2048x1xf32, #tpu.memory_space<vmem>>, vector<2048x1xf32>
    %lt3A = vector.broadcast %get3A_25 : vector<2048x1xf32> to vector<2048x200xf32>
    %lt3A_29 = vector.broadcast %get3A_1 : vector<1x200xf32> to vector<2048x200xf32>
    %lt3A_30 = arith.cmpf olt, %lt3A, %lt3A_29 : vector<2048x200xf32>
    %convert_element_type3A = arith.extui %lt3A_30 : vector<2048x200xi1> to vector<2048x200xi32>
    %convert_element_type3A_31 = arith.sitofp %convert_element_type3A : vector<2048x200xi32> to vector<2048x200xf32>
    %lt3A_32 = vector.broadcast %get3A_28 : vector<2048x1xf32> to vector<2048x200xf32>
    %lt3A_33 = vector.broadcast %get3A_1 : vector<1x200xf32> to vector<2048x200xf32>
    %lt3A_34 = arith.cmpf olt, %lt3A_32, %lt3A_33 : vector<2048x200xf32>
    %convert_element_type3A_35 = arith.extui %lt3A_34 : vector<2048x200xi1> to vector<2048x200xi32>
    %convert_element_type3A_36 = arith.sitofp %convert_element_type3A_35 : vector<2048x200xi32> to vector<2048x200xf32>
    %get3A_37 = arith.constant 0 : index
    %get3A_38 = arith.constant 0 : index
    %get3A_39 = vector.load %arg4[%get3A_37, %get3A_38] : memref<2048x1xf32, #tpu.memory_space<vmem>>, vector<2048x1xf32>
    %mul3A = vector.broadcast %get3A_39 : vector<2048x1xf32> to vector<2048x200xf32>
    %mul3A_40 = arith.mulf %convert_element_type3A_31, %mul3A : vector<2048x200xf32>
    %reduce_sum3A = arith.constant dense<0.000000e+00> : vector<200xf32>
    %reduce_sum3A_41 = vector.multi_reduction <add>, %mul3A_40, %reduce_sum3A [0] : vector<2048x200xf32> to vector<200xf32>
    %broadcast_in_dim3A = vector.shape_cast %reduce_sum3A_41 : vector<200xf32> to vector<1x200xf32>
    %get3A_42 = arith.constant 0 : index
    %get3A_43 = arith.constant 0 : index
    %get3A_44 = vector.load %arg9[%get3A_42, %get3A_43] : memref<2048x1xf32, #tpu.memory_space<vmem>>, vector<2048x1xf32>
    %mul3A_45 = vector.broadcast %get3A_44 : vector<2048x1xf32> to vector<2048x200xf32>
    %mul3A_46 = arith.mulf %convert_element_type3A_36, %mul3A_45 : vector<2048x200xf32>
    %reduce_sum3A_47 = arith.constant dense<0.000000e+00> : vector<200xf32>
    %reduce_sum3A_48 = vector.multi_reduction <add>, %mul3A_46, %reduce_sum3A_47 [0] : vector<2048x200xf32> to vector<200xf32>
    %broadcast_in_dim3A_49 = vector.shape_cast %reduce_sum3A_48 : vector<200xf32> to vector<1x200xf32>
    %mul3A_50 = arith.constant 1.000000e+02 : f32
    %mul3A_51 = vector.broadcast %mul3A_50 : f32 to vector<1x200xf32>
    %mul3A_52 = arith.mulf %mul3A_51, %broadcast_in_dim3A : vector<1x200xf32>
    %div3A = arith.divf %mul3A_52, %get3A_1 : vector<1x200xf32>
    %swap3A = arith.constant 0 : index
    %swap3A_53 = arith.constant 0 : index
    %swap3A_54 = vector.load %arg11[%swap3A, %swap3A_53] : memref<1x200xf32, #tpu.memory_space<vmem>>, vector<1x200xf32>
    tpu.vector_store %arg11[%swap3A, %swap3A_53], %div3A {strides = array<i32>} : memref<1x200xf32, #tpu.memory_space<vmem>>, vector<1x200xf32>,
    %mul3A_55 = arith.constant 1.000000e+02 : f32
    %mul3A_56 = vector.broadcast %mul3A_55 : f32 to vector<1x200xf32>
    %mul3A_57 = arith.mulf %mul3A_56, %broadcast_in_dim3A_49 : vector<1x200xf32>
    %div3A_58 = arith.divf %mul3A_57, %get3A_1 : vector<1x200xf32>
    %swap3A_59 = arith.constant 0 : index
    %swap3A_60 = arith.constant 0 : index
    %swap3A_61 = vector.load %arg12[%swap3A_59, %swap3A_60] : memref<1x200xf32, #tpu.memory_space<vmem>>, vector<1x200xf32>
    tpu.vector_store %arg12[%swap3A_59, %swap3A_60], %div3A_58 {strides = array<i32>} : memref<1x200xf32, #tpu.memory_space<vmem>>, vector<1x200xf32>,
    return
  }
}

</mosaic_0001>

<sc_bundles>
// kernel: gather_offload_async_start.1
scs
__scs_entry_jumppad:
0x0: {  	(pc) =	sbr.rel $0x88, $3  }
0x1: {  	(tag) =	ssettag $0x0;
	lr =	simm.s32 $0x1  }
0x2: {  	[smem:$0x3F9F] =	sst lr;
	_ =	strace $0xD0000000  }
0x3: {  	_ = 	snop  }
0x4: {  	_ = 	snop  }
0x5: {  	_ = 	snop  }
0x6: {  	_ = 	snop  }
0x7: {  	_ = 	snop  }
__scs_overlays_trampoline_lowered:
0x8: {  	[smem:$0x3FAE] =	sst s0  }
0x9: {  	[smem:$0x3FAF] =	sst s1  }
0xa: {  	[smem:$0x3FB0] =	sst s2  }
0xb: {  	[smem:$0x3FB1] =	sst s3  }
0xc: {  	[smem:$0x3FB2] =	sst s4  }
0xd: {  	[smem:$0x3FB3] =	sst s5  }
0xe: {  	[smem:$0x3FB4] =	sst s6  }
0xf: {  	[smem:$0x3FB5] =	sst s7  }
0x10: {  	[smem:$0x3FB6] =	sst s8  }
0x11: {  	[smem:$0x3FB7] =	sst s9;
	s0 =	simm.s32 @!p0 $0x0  }
0x12: {  	s1 =	sld [smem:$0x3F9D];
	s0 =	simm.s32 @p0 $0x1  }
0x13: {  	[smem:$0x3FB8] =	sst s0;
	s0 =	simm.s32 @!p1 $0x0  }
0x14: {  	s2 =	sld [smem:$0x3F9C];
	s0 =	simm.s32 @p1 $0x1  }
0x15: {  	[smem:$0x3FB9] =	sst s0;
	s0 =	simm.s32 @!p2 $0x0  }
0x16: {  	s3 =	sld [smem:$0x3FDB];
	s0 =	simm.s32 @p2 $0x1  }
0x17: {  	s4 =	simm.s32 $0x1BF5;
	[smem:$0x3FBB] =	sst s0  }
0x18: {  	s0 =	sld [smem:$0x3F9E];
	_ =	swait.ge [sflag:s4], $0x0  }
0x19: {  	s7 =	sld [smem:$0x3F9F]  }
0x1a: {  	s8 =	sadd.s32 $0xFFFFE003, lr  }
0x1b: {  	s9 =	sadd.s32 $0xFFFFFEF7, lr;
	s5 =	simm.s32 $0xFFFFFFFF;
	p2 =	slt.u32 s8, $0xFFFFF086  }
0x1c: {  	p1 =	slt.u32 s9, $0xF7A;
	s5 =	simm.s32 @!p2 $0x0  }
0x1d: {  	s5 =	simm.s32 @p1 $0x1;
	p0 =	seq.s32 s7, s2  }
0x1e: {  	s7 =	smul.u32 @!p0 $0xF7A, s2;
	p2 =	seq.s32 @!p0 s5, $0x0  }
0x1f: {  	s9 =	smul.u32 $0xF7A, s1;
	s8 =	simm.s32 @!p0 $0x1BF5;
	p2 =	por !p2, p0  }
0x20: {  	[sflag:s8] =	ssyncset.s32 @!p0 $0xFFFFF086;
	s6 =	sadd.s32 @!p0 s3, s7;
	s7 =	simm.s32 @!p0 $0x108  }
0x21: {  	s3 =	sadd.s32 s3, s9;
	s6 =	sadd.s32 @!p0 $0x88, s6;
	s7 =	simm.s32 @p2 $0x1082  }
0x22: {  	[simem:s7], [sflag:s8] =	dma.local @!p0 [hbm:s6], $0xF7A  }
0x23: {  	s9 =	sor.u32 $0xD0000000, s2;
	s6 =	simm.s32 $0x108;
	_ =	swait.ge @!p0 [sflag:s8], $0x0  }
0x24: {  	s3 =	sadd.s32 $0x88, s3;
	s6 =	simm.s32 @!p1 $0x1082;
	[sflag:s4] =	ssyncset.s32 $0xFFFFF086  }
0x25: {  	[simem:s6], [sflag:s4] =	dma.local [hbm:s3], $0xF7A  }
0x26: {  	[smem:$0x3F9F] =	sst s1;
	(tag) =	ssettag s2;
	_ =	strace s9  }
0x27: {  	s1 =	sld [smem:$0x3FAF]  }
0x28: {  	s2 =	sld [smem:$0x3FB0]  }
0x29: {  	s4 =	sld [smem:$0x3FB2]  }
0x2a: {  	p0 =	seq.s32 s5, $0x0;
	s5 =	sld [smem:$0x3FB3]  }
0x2b: {  	s6 =	sld [smem:$0x3FB4]  }
0x2c: {  	s7 =	sld [smem:$0x3FB5]  }
0x2d: {  	s3 =	simm.s32 $0x108;
	s8 =	sld [smem:$0x3FB6]  }
0x2e: {  	s3 =	simm.s32 @!p0 $0x1082;
	s9 =	sld [smem:$0x3FB7]  }
0x2f: {  	lr =	sadd.s32 s0, s3;
	s0 =	sld [smem:$0x3FAE]  }
0x30: {  	s3 =	sld [smem:$0x3FB1]  }
0x31: {  	[smem:$0x3FBA] =	sst s10  }
0x32: {  	s10 =	sld [smem:$0x3FB8];
	_ =	sdelay $0x3  }
0x33: {  	p0 =	seq.s32 s10, $0x1;
	s10 =	sld [smem:$0x3FBA];
	_ =	sdelay $0x3  }
0x34: {  	[smem:$0x3FBA] =	sst s10  }
0x35: {  	s10 =	sld [smem:$0x3FB9];
	_ =	sdelay $0x3  }
0x36: {  	p1 =	seq.s32 s10, $0x1;
	s10 =	sld [smem:$0x3FBA];
	_ =	sdelay $0x3  }
0x37: {  	[smem:$0x3FBA] =	sst s10  }
0x38: {  	s10 =	sld [smem:$0x3FBB]  }
0x39: {  	_ = 	snop;
	(pc) =	sbr.ind lr, $3  }
0x3a: {  	_ = 	snop  }
0x3b: {  	_ = 	snop  }
0x3c: {  	p2 =	seq.s32 s10, $0x1;
	s10 =	sld [smem:$0x3FBA]  }
0x3d: {  	_ =	shalt  }
0x3e: {  	_ =	shalt  }
0x3f: {  	_ =	shalt  }
0x40: {  	_ =	shalt  }
0x41: {  	_ =	shalt  }
0x42: {  	_ =	shalt  }
0x43: {  	_ =	shalt  }
0x44: {  	_ =	shalt  }
0x45: {  	_ =	shalt  }
0x46: {  	_ =	shalt  }
0x47: {  	_ =	shalt  }
0x48: {  	_ =	shalt  }
0x49: {  	_ =	shalt  }
0x4a: {  	_ =	shalt  }
0x4b: {  	_ =	shalt  }
0x4c: {  	_ =	shalt  }
0x4d: {  	_ =	shalt  }
0x4e: {  	_ =	shalt  }
0x4f: {  	_ =	shalt  }
0x50: {  	_ =	shalt  }
0x51: {  	_ =	shalt  }
0x52: {  	_ =	shalt  }
0x53: {  	_ =	shalt  }
0x54: {  	_ =	shalt  }
0x55: {  	_ =	shalt  }
0x56: {  	_ =	shalt  }
0x57: {  	_ =	shalt  }
0x58: {  	_ =	shalt  }
0x59: {  	_ =	shalt  }
0x5a: {  	_ =	shalt  }
0x5b: {  	_ =	shalt  }
0x5c: {  	_ =	shalt  }
0x5d: {  	_ =	shalt  }
0x5e: {  	_ =	shalt  }
0x5f: {  	_ =	shalt  }
0x60: {  	_ =	shalt  }
0x61: {  	_ =	shalt  }
0x62: {  	_ =	shalt  }
0x63: {  	_ =	shalt  }
0x64: {  	_ =	shalt  }
0x65: {  	_ =	shalt  }
0x66: {  	_ =	shalt  }
0x67: {  	_ =	shalt  }
0x68: {  	_ =	shalt  }
0x69: {  	_ =	shalt  }
0x6a: {  	_ =	shalt  }
0x6b: {  	_ =	shalt  }
0x6c: {  	_ =	shalt  }
0x6d: {  	_ =	shalt  }
0x6e: {  	_ =	shalt  }
0x6f: {  	_ =	shalt  }
0x70: {  	_ =	shalt  }
0x71: {  	_ =	shalt  }
0x72: {  	_ =	shalt  }
0x73: {  	_ =	shalt  }
0x74: {  	_ =	shalt  }
0x75: {  	_ =	shalt  }
0x76: {  	_ =	shalt  }
0x77: {  	_ =	shalt  }
0x78: {  	_ =	shalt  }
0x79: {  	_ =	shalt  }
0x7a: {  	_ =	shalt  }
0x7b: {  	_ =	shalt  }
0x7c: {  	_ =	shalt  }
0x7d: {  	_ =	shalt  }
0x7e: {  	_ =	shalt  }
0x7f: {  	_ =	shalt  }
0x80: {  	_ =	shalt  }
0x81: {  	_ =	shalt  }
0x82: {  	_ =	shalt  }
0x83: {  	_ =	shalt  }
0x84: {  	_ =	shalt  }
0x85: {  	_ =	shalt  }
0x86: {  	_ =	shalt  }
0x87: {  	_ =	shalt  }
.Lfunc_end0:
.L_simem_size_0:
called_computation.1_lowered:
.L_overlay_start_0:
0x88: {  	s2 =	sld [smem:$0x3FD9]  }
0x89: {  	s3 =	sld [smem:$0x3FFE];
	_ =	sdelay $0x1  }
0x8a: {  	s1 =	srdreg.scid  }
0x8b: {  	s0 =	sand.u32 $0x1, s1  }
0x8c: {  	s16 =	sshll.u32 s0, $0xA;
	s2 =	sadd.s32 s3, s2  }
0x8d: {  	s2 =	sadd.s32 s2, s16  }
0x8e: {  	[smem:$0x3FC6] =	sst s2  }
0x8f: {  	_ = 	snop  }
0x90: {  	(tm) =	ssettm $0x1  }
0x91: {  	s17 =	sld [smem:$0x3FFB];
	_ =	sdelay $0x3  }
0x92: {  	_ =	strace s17  }
0x93: {  	s2 =	sld [smem:$0x3FFC];
	_ =	sdelay $0x3  }
0x94: {  	_ =	strace s2  }
0x95: {  	s2 =	sld [smem:$0x3FFD];
	_ =	sdelay $0x3  }
0x96: {  	_ =	strace s2  }
0x97: {  	_ =	strace $0x8FFFFFFF  }
0x98: {  	s18 =	sld [smem:$0x3FDB];
	_ =	sdelay $0x1  }
0x99: {  	s19 =	simm.s32 $_scs_section_size  }
0x9a: {  	s4 =	simm.s32 $_size__tile_overlayer_lowered;
	s5 =	simm.s32 $_tile_overlayer_lowered  }
0x9b: {  	s22 =	simm.s32 $0x1BFF;
	s21 =	sshll.u32 s5, $0x1;
	s2 =	sadd.s32 s19, s18  }
0x9c: {  	s6 =	simm.s32 $0x0;
	s20 =	sshll.u32 s4, $0x1;
	s4 =	sadd.s32 s21, s2  }
0x9d: {  	[timem:s6], [sflag:s22] =	dma.local [hbm:s4], s20  }
0x9e: {  	_ =	swait.ge [sflag:s22], s20  }
0x9f: {  	s3 =	ssub.s32 $0x0, s20;
	[sflag:s22] =	ssyncset.done $0x0  }
0xa0: {  	[sflag:s22] =	ssyncadd.s32 s3;
	_ =	sdelay $0x1  }
0xa1: {  	s23 =	simm.s32 $0x1B8B  }
0xa2: {  	_ =	swait.ge [sflag:s23], $0x1  }
0xa3: {  	[sflag:s23] =	ssyncset.done $0x0  }
0xa4: {  	s25 =	simm.s32 $0x1B8E;
	s24 =	sld [smem:$0x3FFE];
	[sflag:s23] =	ssyncadd.s32 $0xFFFFFFFF  }
0xa5: {  	s26 =	simm.s32 $execute0_lowered;
	[smem:$0x3FD2] =	sst s25  }
0xa6: {  	s4 =	sshll.u32 s26, $0x1;
	_ =	strace $0x80000046;
	[dreg:$0x1] =	wrdreg $0xFFFFFFFF  }
0xa7: {  	s28 =	simm.s32 $_size_execute0_lowered;
	s2 =	sadd.s32 s2, s4;
	[dreg:$0x0] =	wrdreg $0x0  }
0xa8: {  	s4 =	sshll.u32 s28, $0x1;
	[dreg:$0x2] =	wrdreg s2  }
0xa9: {  	[dreg:$0x3] =	wrdreg s4  }
0xaa: {  	[dreg:$0x4] =	wrdreg $0xC0  }
0xab: {  	_ =	task [dreg:s6], $0x5FFFF  }
0xac: {  	[dreg:$0x1] =	wrdreg $0xFFFFFFFF  }
0xad: {  	[dreg:$0x0] =	wrdreg $0x60  }
0xae: {  	[dreg:$0x2] =	wrdreg s24  }
0xaf: {  	[dreg:$0x3] =	wrdreg $0xA  }
0xb0: {  	_ =	task.clear_ibuf [dreg:s6], $0x4FFFF;
	_ =	strace $0x90000046  }
0xb1: {  	s29 =	simm.s32 $0xA;
	_ =	strace $0x80000048  }
0xb2: {  	_ =	swait.ge [sflag:s29], $0x1  }
0xb3: {  	[sflag:s29] =	ssyncadd.s32 $0xFFFFFFFF  }
0xb4: {  	_ =	strace $0x90000048  }
0xb5: {  	_ =	sfence  }
0xb6: {  	s30 =	sld [smem:$0x0];
	_ =	sdelay $0x2  }
0xb7: {  	s31 =	sshll.u32 s1, $0xD;
	s1 =	sshrl.u32 s1, $0x2  }
0xb8: {  	s3 =	sand.u32 $0x4000, s31;
	s1 =	sadd.s32 s1, s30  }
0xb9: {  	s0 =	sor.u32 s3, s0;
	s1 =	sshll.u32 s1, $0x11  }
0xba: {  	s0 =	sor.u32 s1, s0  }
0xbb: {  	s0 =	sadd.s32 $0x8F2B, s0  }
0xbc: {  	[sflag:s0] =	ssyncadd.remote.s32 $0x1  }
0xbd: {  	_ =	sfence.sel $0xFFFF  }
0xbe: {  	[dreg:$0x0] =	wrdreg $0xFFFFFFFF;
	(pc) =	sbr.abs _section_cstart, $3  }
0xbf: {  	[dreg:$0x1] =	wrdreg $0xFFFFFFFF  }
0xc0: {  	_ =	task.clear_ibuf [dreg:s6], $0x2FFFF;
	_ =	strace $0x9FFFFFFF  }
0xc1: {  	(tm) =	ssettm $0x7FFFFFFF  }
tec
execute0_lowered:
.L_overlay_start_1:
0x0: {  	(tag) =	ssettag $0x1  }
0x1: {  	s1 =	srdreg.scid  }
0x2: {  	s0 =	stileid.u32;
	s2 =	rddreg [dreg:$0x0];
	s1 =	sshll.u32 s1, $0x5  }
0x3: {  	s6 =	simm.s32 $0x1;
	s3 =	sshll.u32 s0, $0x6;
	s1 =	sand.u32 $0x20, s1  }
0x4: {  	s30 =	simm.s32 $0x2;
	s31 =	simm.s32 $0x3;
	s3 =	sor.u32 s3, s1  }
0x5: {  	s11 =	simm.s32 $0x0;
	s8 =	simm.s32 $0x0;
	s5 =	ssub.s32 $0x800, s3  }
0x6: {  	s9 =	simm.s32 $0x0;
	s4 =	sadd.s32 $0x8200, s2;
	s7 =	sand.u32 $0x3E0, s5  }
0x7: {  	s1 =	rddreg [dreg:$0x1];
	_ =	strace $0x80000047;
	p0 =	sne.s32 s7, $0x0  }
0x8: {  	[sflag:s6] =	ssyncpa.u1 $0x0;
	s5 =	sshrl.u32 s5, $0xA;
	s6 =	simm.s32 @!p0 $0x0  }
0x9: {  	s10 =	smov.u32 s3;
	[sflag:s30] =	ssyncpa.u1 $0x0;
	s5 =	sadd.s32 s6, s5  }
0xa: {  	[sflag:s31] =	ssyncpa.u1 $0x0;
	s6 =	sadd.s32 $0x10400, s2;
	s7 =	sadd.s32 $0x1, s5  }
.LBB2_1:
0xb: {  	p0 =	sge.u32 s9, s5  }
0xc: {  	s31 =	sadd.s32 $0xFFFFFFFF, s9;
	s12 =	sxor.u32 @!p0 $0xFFFFFFFF, s8;
	s13 =	sshrl.u32 @!p0 s10, $0x3  }
0xd: {  	s14 =	sand.u32 @!p0 $0x7, s10;
	s12 =	sand.u32 @!p0 $0x20, s12;
	s13 =	sadd.s32 @!p0 s2, s13  }
0xe: {  	[tilespmem:s12], [sflag:$0x2] =	stream.linear.gather @!p0 [hbm4b:s13+s14], $0x20, $0x38;
	[tilespmem:$0x80] =	vst v63  }
0xf: {  	p0 =	sge.u32 s31, s5  }
0x10: {  	s12 =	simm.s32 @!p0 $0x2  }
0x11: {  	_ =	swait.ge @!p0 [sflag:s12], $0x20  }
0x12: {  	[sflag:s12] =	ssyncset.done @!p0 $0x0  }
0x13: {  	[sflag:s12] =	ssyncadd.s32 @!p0 $0xFFFFFFE0;
	s12 =	sand.u32 @!p0 $0x20, s8  }
0x14: {  	(ifvalue) =	ssetifvalue @!p0 $0x7FFFFFFF;
	v0 =	vld.msk @!p0 [tilespmem:s12+$0x0 ss:$0x1], $0xffff;
	_ =	sdelay $0x4  }
0x15: {  	vm0 =	vgt.s32 @!p0 v0, $0x0  }
0x16: {  	v0 =	vnsel @!p0 vm0, $0x0, v0  }
0x17: {  	v0 =	vmin.u32 @!p0 v0, $0x3FFFF;
	_ =	sdelay $0x2  }
0x18: {  	s14 =	simm.s32 @!p0 $0x0  }
0x19: {  	s13 =	sor.u32 @!p0 $0x40, s12;
	(ifvalue) =	ssetifvalue @!p0 $0x7FFFFFFF;
	s15 =	sor.u32 @!p0 $0x10, s12;
	vm0 =	vmmov @!p0 $0xffff  }
0x1a: {  	[tilespmem:s13], [sflag:$0x1] =	stream.indirect_vreg.gather @!p0 [hbm4b:s4+s14], $0x1, v0, vm0, $0x4038;
	[tilespmem:$0x80] =	vst v63  }
0x1b: {  	v0 =	vld.msk @!p0 [tilespmem:s15+$0x0 ss:$0x1], $0xffff;
	_ =	sdelay $0x4  }
0x1c: {  	vm1 =	vgt.s32 @!p0 v0, $0x0  }
0x1d: {  	v0 =	vnsel @!p0 vm1, $0x0, v0  }
0x1e: {  	v0 =	vmin.u32 @!p0 v0, $0x3FFFF;
	_ =	sdelay $0x3  }
0x1f: {  	s12 =	sor.u32 @!p0 $0x50, s12;
	(ifvalue) =	ssetifvalue @!p0 $0x7FFFFFFF  }
0x20: {  	[tilespmem:s12], [sflag:$0x1] =	stream.indirect_vreg.gather @!p0 [hbm4b:s4+s14], $0x1, v0, vm0, $0x4038;
	[tilespmem:$0x80] =	vst v63  }
0x21: {  	s12 =	simm.s32 @!p0 $0x1  }
0x22: {  	_ =	swait.ge @!p0 [sflag:s12], $0x20  }
0x23: {  	s14 =	sshrl.u32 @!p0 s11, $0x3;
	[sflag:s12] =	ssyncset.done @!p0 $0x0  }
0x24: {  	s11 =	sand.u32 @!p0 $0x7, s11;
	[sflag:s12] =	ssyncadd.s32 @!p0 $0xFFFFFFE0;
	s12 =	sadd.s32 @!p0 s6, s14  }
0x25: {  	[hbm4b:s12+s11] =	stream.linear.scatter @!p0 [tilespmem:s13], [sflag:$0x3], $0x20, $0x38;
	[tilespmem:$0x80] =	vst v63  }
0x26: {  	s13 =	sadd.s32 $0x400, s10  }
0x27: {  	p1 =	sgt.s32 s13, $0x7FF  }
0x28: {  	s13 =	smov.u32 @p1 s3;
	p1 =	sne.s32 s9, s7  }
.Ltmp0:
0x29: {  	p0 =	slt.u32 s9, $0x2;
	(pc) =	sbr.rel @p1 .LBB2_1-.Ltmp0, $4  }
0x2a: {  	s12 =	simm.s32 @!p0 $0x3  }
0x2b: {  	_ =	swait.ge @!p0 [sflag:s12], $0x20  }
0x2c: {  	s8 =	sadd.s32 $0x20, s8;
	s11 =	smov.u32 s10;
	[sflag:s12] =	ssyncset.done @!p0 $0x0  }
0x2d: {  	s9 =	sadd.s32 $0x1, s9;
	s10 =	smov.u32 s13;
	[sflag:s12] =	ssyncadd.s32 @!p0 $0xFFFFFFE0  }
0x2e: {  	_ =	sfence.sel $0x180000  }
0x2f: {  	s2 =	simm.s32 $0x2;
	[bflag:$0x0] =	sbarrier.arrive $0xFFFF  }
0x30: {  	s30 =	simm.s32 $0x3;
	[sflag:s2] =	ssyncpa.u1 $0x1  }
0x31: {  	s31 =	simm.s32 $0x1;
	[sflag:s30] =	ssyncpa.u1 $0x1  }
0x32: {  	[sflag:s31] =	ssyncpa.u1 $0x1  }
0x33: {  	p0 =	sne.s32 s0, $0x0;
	_ =	strace $0x90000047  }
0x34: {  	s0 =	sadd.s32 @!p0 $0x100000, s1;
	[bflag:$0x2] =	sbarrier.arrive $0xFFFF  }
0x35: {  	[sflag:s0] =	ssyncadd.tile.s32 @!p0 $0x1;
	_ =	shalt  }
.Lfunc_end2:
_tile_overlayer_lowered:
.L_overlay_start_2:
0x36: {  	(tag) =	ssettag $0x2  }
0x37: {  	s0 =	rddreg [dreg:$0x0];
	s2 =	stileid.u32  }
0x38: {  	s1 =	rddreg [dreg:$0x1];
	p0 =	sne.s32 s2, $0x0  }
0x39: {  	s3 =	rddreg [dreg:$0x2];
	[bflag:$0x3] =	sbarrier.arrive $0xFFFF;
	s2 =	simm.s32 @!p0 $0x1C01  }
0x3a: {  	[timem:s3], [sflag:s2] =	dma.local @!p0 [hbm:s0], s1  }
0x3b: {  	s0 =	simm.s32 @!p0 $0x1  }
0x3c: {  	_ =	swait.ge @!p0 [sflag:s0], s1  }
0x3d: {  	s1 =	ssub.s32 @!p0 $0x0, s1;
	[sflag:s0] =	ssyncset.done @!p0 $0x0  }
0x3e: {  	[sflag:s0] =	ssyncadd.s32 @!p0 s1  }
0x3f: {  	[bflag:$0x3] =	sbarrier.arrive $0xFFFF  }
0x40: {  	_ =	shalt  }

// kernel: gather_offload_async_start
scs
__scs_entry_jumppad:
0x0: {  	(pc) =	sbr.rel $0x88, $3  }
0x1: {  	(tag) =	ssettag $0x0;
	lr =	simm.s32 $0x1  }
0x2: {  	[smem:$0x3F9F] =	sst lr;
	_ =	strace $0xD0000000  }
0x3: {  	_ = 	snop  }
0x4: {  	_ = 	snop  }
0x5: {  	_ = 	snop  }
0x6: {  	_ = 	snop  }
0x7: {  	_ = 	snop  }
__scs_overlays_trampoline_lowered:
0x8: {  	[smem:$0x3FAE] =	sst s0  }
0x9: {  	[smem:$0x3FAF] =	sst s1  }
0xa: {  	[smem:$0x3FB0] =	sst s2  }
0xb: {  	[smem:$0x3FB1] =	sst s3  }
0xc: {  	[smem:$0x3FB2] =	sst s4  }
0xd: {  	[smem:$0x3FB3] =	sst s5  }
0xe: {  	[smem:$0x3FB4] =	sst s6  }
0xf: {  	[smem:$0x3FB5] =	sst s7  }
0x10: {  	[smem:$0x3FB6] =	sst s8  }
0x11: {  	[smem:$0x3FB7] =	sst s9;
	s0 =	simm.s32 @!p0 $0x0  }
0x12: {  	s1 =	sld [smem:$0x3F9D];
	s0 =	simm.s32 @p0 $0x1  }
0x13: {  	[smem:$0x3FB8] =	sst s0;
	s0 =	simm.s32 @!p1 $0x0  }
0x14: {  	s2 =	sld [smem:$0x3F9C];
	s0 =	simm.s32 @p1 $0x1  }
0x15: {  	[smem:$0x3FB9] =	sst s0;
	s0 =	simm.s32 @!p2 $0x0  }
0x16: {  	s3 =	sld [smem:$0x3FDB];
	s0 =	simm.s32 @p2 $0x1  }
0x17: {  	s4 =	simm.s32 $0x1BF5;
	[smem:$0x3FBB] =	sst s0  }
0x18: {  	s0 =	sld [smem:$0x3F9E];
	_ =	swait.ge [sflag:s4], $0x0  }
0x19: {  	s7 =	sld [smem:$0x3F9F]  }
0x1a: {  	s8 =	sadd.s32 $0xFFFFE003, lr  }
0x1b: {  	s9 =	sadd.s32 $0xFFFFFEF7, lr;
	s5 =	simm.s32 $0xFFFFFFFF;
	p2 =	slt.u32 s8, $0xFFFFF086  }
0x1c: {  	p1 =	slt.u32 s9, $0xF7A;
	s5 =	simm.s32 @!p2 $0x0  }
0x1d: {  	s5 =	simm.s32 @p1 $0x1;
	p0 =	seq.s32 s7, s2  }
0x1e: {  	s7 =	smul.u32 @!p0 $0xF7A, s2;
	p2 =	seq.s32 @!p0 s5, $0x0  }
0x1f: {  	s9 =	smul.u32 $0xF7A, s1;
	s8 =	simm.s32 @!p0 $0x1BF5;
	p2 =	por !p2, p0  }
0x20: {  	[sflag:s8] =	ssyncset.s32 @!p0 $0xFFFFF086;
	s6 =	sadd.s32 @!p0 s3, s7;
	s7 =	simm.s32 @!p0 $0x108  }
0x21: {  	s3 =	sadd.s32 s3, s9;
	s6 =	sadd.s32 @!p0 $0x88, s6;
	s7 =	simm.s32 @p2 $0x1082  }
0x22: {  	[simem:s7], [sflag:s8] =	dma.local @!p0 [hbm:s6], $0xF7A  }
0x23: {  	s9 =	sor.u32 $0xD0000000, s2;
	s6 =	simm.s32 $0x108;
	_ =	swait.ge @!p0 [sflag:s8], $0x0  }
0x24: {  	s3 =	sadd.s32 $0x88, s3;
	s6 =	simm.s32 @!p1 $0x1082;
	[sflag:s4] =	ssyncset.s32 $0xFFFFF086  }
0x25: {  	[simem:s6], [sflag:s4] =	dma.local [hbm:s3], $0xF7A  }
0x26: {  	[smem:$0x3F9F] =	sst s1;
	(tag) =	ssettag s2;
	_ =	strace s9  }
0x27: {  	s1 =	sld [smem:$0x3FAF]  }
0x28: {  	s2 =	sld [smem:$0x3FB0]  }
0x29: {  	s4 =	sld [smem:$0x3FB2]  }
0x2a: {  	p0 =	seq.s32 s5, $0x0;
	s5 =	sld [smem:$0x3FB3]  }
0x2b: {  	s6 =	sld [smem:$0x3FB4]  }
0x2c: {  	s7 =	sld [smem:$0x3FB5]  }
0x2d: {  	s3 =	simm.s32 $0x108;
	s8 =	sld [smem:$0x3FB6]  }
0x2e: {  	s3 =	simm.s32 @!p0 $0x1082;
	s9 =	sld [smem:$0x3FB7]  }
0x2f: {  	lr =	sadd.s32 s0, s3;
	s0 =	sld [smem:$0x3FAE]  }
0x30: {  	s3 =	sld [smem:$0x3FB1]  }
0x31: {  	[smem:$0x3FBA] =	sst s10  }
0x32: {  	s10 =	sld [smem:$0x3FB8];
	_ =	sdelay $0x3  }
0x33: {  	p0 =	seq.s32 s10, $0x1;
	s10 =	sld [smem:$0x3FBA];
	_ =	sdelay $0x3  }
0x34: {  	[smem:$0x3FBA] =	sst s10  }
0x35: {  	s10 =	sld [smem:$0x3FB9];
	_ =	sdelay $0x3  }
0x36: {  	p1 =	seq.s32 s10, $0x1;
	s10 =	sld [smem:$0x3FBA];
	_ =	sdelay $0x3  }
0x37: {  	[smem:$0x3FBA] =	sst s10  }
0x38: {  	s10 =	sld [smem:$0x3FBB]  }
0x39: {  	_ = 	snop;
	(pc) =	sbr.ind lr, $3  }
0x3a: {  	_ = 	snop  }
0x3b: {  	_ = 	snop  }
0x3c: {  	p2 =	seq.s32 s10, $0x1;
	s10 =	sld [smem:$0x3FBA]  }
0x3d: {  	_ =	shalt  }
0x3e: {  	_ =	shalt  }
0x3f: {  	_ =	shalt  }
0x40: {  	_ =	shalt  }
0x41: {  	_ =	shalt  }
0x42: {  	_ =	shalt  }
0x43: {  	_ =	shalt  }
0x44: {  	_ =	shalt  }
0x45: {  	_ =	shalt  }
0x46: {  	_ =	shalt  }
0x47: {  	_ =	shalt  }
0x48: {  	_ =	shalt  }
0x49: {  	_ =	shalt  }
0x4a: {  	_ =	shalt  }
0x4b: {  	_ =	shalt  }
0x4c: {  	_ =	shalt  }
0x4d: {  	_ =	shalt  }
0x4e: {  	_ =	shalt  }
0x4f: {  	_ =	shalt  }
0x50: {  	_ =	shalt  }
0x51: {  	_ =	shalt  }
0x52: {  	_ =	shalt  }
0x53: {  	_ =	shalt  }
0x54: {  	_ =	shalt  }
0x55: {  	_ =	shalt  }
0x56: {  	_ =	shalt  }
0x57: {  	_ =	shalt  }
0x58: {  	_ =	shalt  }
0x59: {  	_ =	shalt  }
0x5a: {  	_ =	shalt  }
0x5b: {  	_ =	shalt  }
0x5c: {  	_ =	shalt  }
0x5d: {  	_ =	shalt  }
0x5e: {  	_ =	shalt  }
0x5f: {  	_ =	shalt  }
0x60: {  	_ =	shalt  }
0x61: {  	_ =	shalt  }
0x62: {  	_ =	shalt  }
0x63: {  	_ =	shalt  }
0x64: {  	_ =	shalt  }
0x65: {  	_ =	shalt  }
0x66: {  	_ =	shalt  }
0x67: {  	_ =	shalt  }
0x68: {  	_ =	shalt  }
0x69: {  	_ =	shalt  }
0x6a: {  	_ =	shalt  }
0x6b: {  	_ =	shalt  }
0x6c: {  	_ =	shalt  }
0x6d: {  	_ =	shalt  }
0x6e: {  	_ =	shalt  }
0x6f: {  	_ =	shalt  }
0x70: {  	_ =	shalt  }
0x71: {  	_ =	shalt  }
0x72: {  	_ =	shalt  }
0x73: {  	_ =	shalt  }
0x74: {  	_ =	shalt  }
0x75: {  	_ =	shalt  }
0x76: {  	_ =	shalt  }
0x77: {  	_ =	shalt  }
0x78: {  	_ =	shalt  }
0x79: {  	_ =	shalt  }
0x7a: {  	_ =	shalt  }
0x7b: {  	_ =	shalt  }
0x7c: {  	_ =	shalt  }
0x7d: {  	_ =	shalt  }
0x7e: {  	_ =	shalt  }
0x7f: {  	_ =	shalt  }
0x80: {  	_ =	shalt  }
0x81: {  	_ =	shalt  }
0x82: {  	_ =	shalt  }
0x83: {  	_ =	shalt  }
0x84: {  	_ =	shalt  }
0x85: {  	_ =	shalt  }
0x86: {  	_ =	shalt  }
0x87: {  	_ =	shalt  }
.Lfunc_end0:
.L_simem_size_0:
called_computation_lowered:
.L_overlay_start_0:
0x88: {  	s2 =	sld [smem:$0x3FD9]  }
0x89: {  	s3 =	sld [smem:$0x3FFE];
	_ =	sdelay $0x1  }
0x8a: {  	s1 =	srdreg.scid  }
0x8b: {  	s0 =	sand.u32 $0x1, s1  }
0x8c: {  	s17 =	sshll.u32 s0, $0xA;
	s2 =	sadd.s32 s3, s2  }
0x8d: {  	s2 =	sadd.s32 s2, s17  }
0x8e: {  	[smem:$0x3FC6] =	sst s2  }
0x8f: {  	_ = 	snop  }
0x90: {  	(tm) =	ssettm $0x1  }
0x91: {  	s18 =	sld [smem:$0x3FFB];
	_ =	sdelay $0x3  }
0x92: {  	_ =	strace s18  }
0x93: {  	s2 =	sld [smem:$0x3FFC];
	_ =	sdelay $0x3  }
0x94: {  	_ =	strace s2  }
0x95: {  	s2 =	sld [smem:$0x3FFD];
	_ =	sdelay $0x3  }
0x96: {  	_ =	strace s2  }
0x97: {  	_ =	strace $0x8FFFFFFF  }
0x98: {  	s19 =	sld [smem:$0x3FDB];
	_ =	sdelay $0x1  }
0x99: {  	s20 =	simm.s32 $_scs_section_size  }
0x9a: {  	s4 =	simm.s32 $_size__tile_overlayer_lowered;
	s5 =	simm.s32 $_tile_overlayer_lowered  }
0x9b: {  	s6 =	simm.s32 $0x1BFF;
	s21 =	sshll.u32 s5, $0x1;
	s3 =	sadd.s32 s20, s19  }
0x9c: {  	s22 =	simm.s32 $0x0;
	s4 =	sshll.u32 s4, $0x1;
	s5 =	sadd.s32 s21, s3  }
0x9d: {  	[timem:s22], [sflag:s6] =	dma.local [hbm:s5], s4  }
0x9e: {  	_ =	swait.ge [sflag:s6], s4  }
0x9f: {  	s4 =	ssub.s32 $0x0, s4;
	[sflag:s6] =	ssyncset.done $0x0  }
0xa0: {  	[sflag:s6] =	ssyncadd.s32 s4;
	_ =	sdelay $0x1  }
0xa1: {  	s23 =	simm.s32 $0x1B8B  }
0xa2: {  	_ =	swait.ge [sflag:s23], $0x1  }
0xa3: {  	[sflag:s23] =	ssyncset.done $0x0  }
0xa4: {  	[sflag:s23] =	ssyncadd.s32 $0xFFFFFFFF  }
0xa5: {  	s4 =	sld [smem:$0x0]  }
0xa6: {  	s5 =	sand.u32 $0xFFFFFFFE, s1  }
0xa7: {  	p0 =	sne.s32 s1, s5  }
0xa8: {  	s5 =	sshll.u32 @p0 s5, $0xE  }
0xa9: {  	s5 =	sadd.s32 @p0 $0x11B8D, s5;
	s6 =	sshll.u32 @p0 s4, $0x11  }
0xaa: {  	s5 =	sor.u32 @p0 s6, s5  }
0xab: {  	[sflag:s5] =	ssyncadd.remote.s32 @p0 $0x1;
	_ =	sdelay $0x1  }
0xac: {  	s5 =	simm.s32 @p0 $0x1B8D  }
0xad: {  	_ =	swait.eq @p0 [sflag:s5], $0x1  }
0xae: {  	[sflag:s5] =	ssyncadd.s32 @p0 $0xFFFFFFFF  }
0xaf: {  	s6 =	sshll.u32 @!p0 s1, $0xE  }
0xb0: {  	s6 =	sor.u32 @!p0 $0x4000, s6;
	s5 =	simm.s32 @!p0 $0x1B8D  }
0xb1: {  	s4 =	sshll.u32 @!p0 s4, $0x11;
	s6 =	sadd.s32 @!p0 $0x11B8D, s6;
	_ =	swait.eq @!p0 [sflag:s5], $0x1  }
0xb2: {  	s4 =	sor.u32 @!p0 s4, s6;
	[sflag:s5] =	ssyncadd.s32 @!p0 $0xFFFFFFFF  }
0xb3: {  	s25 =	simm.s32 $0x1B8E;
	s24 =	sld [smem:$0x3FFE];
	[sflag:s4] =	ssyncadd.remote.s32 @!p0 $0x1  }
0xb4: {  	s26 =	simm.s32 $execute0_lowered;
	[smem:$0x3FD2] =	sst s25  }
0xb5: {  	s5 =	sshll.u32 s26, $0x1;
	_ =	strace $0x80000049;
	[dreg:$0x1] =	wrdreg $0xFFFFFFFF  }
0xb6: {  	s28 =	simm.s32 $_size_execute0_lowered;
	s3 =	sadd.s32 s3, s5;
	[dreg:$0x0] =	wrdreg $0x0  }
0xb7: {  	s5 =	sshll.u32 s28, $0x1;
	[dreg:$0x2] =	wrdreg s3  }
0xb8: {  	[dreg:$0x3] =	wrdreg s5  }
0xb9: {  	[dreg:$0x4] =	wrdreg $0xC0  }
0xba: {  	_ =	task [dreg:s22], $0x5FFFF  }
0xbb: {  	[dreg:$0x1] =	wrdreg $0xFFFFFFFF  }
0xbc: {  	[dreg:$0x0] =	wrdreg $0x60  }
0xbd: {  	[dreg:$0x2] =	wrdreg s24  }
0xbe: {  	[dreg:$0x3] =	wrdreg $0x9  }
0xbf: {  	_ =	task.clear_ibuf [dreg:s22], $0x4FFFF;
	_ =	strace $0x90000049  }
0xc0: {  	s29 =	simm.s32 $0x9;
	_ =	strace $0x8000004B  }
0xc1: {  	_ =	swait.ge [sflag:s29], $0x1  }
0xc2: {  	[sflag:s29] =	ssyncadd.s32 $0xFFFFFFFF  }
0xc3: {  	_ =	strace $0x9000004B  }
0xc4: {  	_ =	sfence  }
0xc5: {  	s30 =	sld [smem:$0x0];
	_ =	sdelay $0x2  }
0xc6: {  	s31 =	sshll.u32 s1, $0xD;
	s1 =	sshrl.u32 s1, $0x2  }
0xc7: {  	s4 =	sand.u32 $0x4000, s31;
	s1 =	sadd.s32 s1, s30  }
0xc8: {  	s0 =	sor.u32 s4, s0;
	s1 =	sshll.u32 s1, $0x11  }
0xc9: {  	s0 =	sor.u32 s1, s0  }
0xca: {  	s0 =	sadd.s32 $0x8F2B, s0  }
0xcb: {  	[sflag:s0] =	ssyncadd.remote.s32 $0x1  }
0xcc: {  	_ =	sfence.sel $0xFFFF  }
0xcd: {  	[dreg:$0x0] =	wrdreg $0xFFFFFFFF;
	(pc) =	sbr.abs _section_cstart, $3  }
0xce: {  	[dreg:$0x1] =	wrdreg $0xFFFFFFFF  }
0xcf: {  	_ =	task.clear_ibuf [dreg:s22], $0x2FFFF;
	_ =	strace $0x9FFFFFFF  }
0xd0: {  	(tm) =	ssettm $0x7FFFFFFF  }
0xd1: {  	_ =	shalt  }
tec
execute0_lowered:
.L_overlay_start_1:
0x0: {  	(tag) =	ssettag $0x1  }
0x1: {  	s1 =	srdreg.scid;
	s0 =	stileid.u32  }
0x2: {  	s6 =	rddreg [dreg:$0x0];
	s7 =	simm.s32 $0x1;
	s1 =	sshll.u32 s1, $0x5  }
0x3: {  	s30 =	simm.s32 $0x2;
	s2 =	sshll.u32 s0, $0x6;
	s3 =	sand.u32 $0x20, s1  }
0x4: {  	s31 =	simm.s32 $0x3;
	s11 =	simm.s32 $0x0;
	s2 =	sor.u32 s2, s3  }
0x5: {  	s9 =	simm.s32 $0x0;
	s4 =	sadd.s32 $0x10200, s6;
	s5 =	ssub.s32 $0x800, s2  }
0x6: {  	s1 =	rddreg [dreg:$0x1];
	_ =	strace $0x8000004A;
	s8 =	sand.u32 $0x3E0, s5  }
0x7: {  	s3 =	sadd.s32 $0x200, s6;
	[sflag:s7] =	ssyncpa.u1 $0x0;
	p0 =	sne.s32 s8, $0x0  }
0x8: {  	s6 =	sadd.s32 $0x10600, s6;
	s5 =	sshrl.u32 s5, $0xA;
	s7 =	simm.s32 @!p0 $0x0  }
0x9: {  	[sflag:s30] =	ssyncpa.u1 $0x0;
	s10 =	smov.u32 s2;
	s5 =	sadd.s32 s7, s5  }
0xa: {  	[sflag:s31] =	ssyncpa.u1 $0x0;
	s8 =	simm.s32 $0x0;
	s7 =	sadd.s32 $0x1, s5  }
.LBB2_1:
0xb: {  	p0 =	sge.u32 s9, s5  }
0xc: {  	s31 =	sadd.s32 $0xFFFFFFFF, s9;
	s12 =	sxor.u32 @!p0 $0xFFFFFFFF, s8;
	s13 =	sshrl.u32 @!p0 s10, $0x3  }
0xd: {  	s14 =	sand.u32 @!p0 $0x7, s10;
	s12 =	sand.u32 @!p0 $0x20, s12;
	s13 =	sadd.s32 @!p0 s4, s13  }
0xe: {  	[tilespmem:s12], [sflag:$0x2] =	stream.linear.gather @!p0 [hbm4b:s13+s14], $0x20, $0x38;
	[tilespmem:$0x80] =	vst v63  }
0xf: {  	p0 =	sge.u32 s31, s5  }
0x10: {  	s12 =	simm.s32 @!p0 $0x2  }
0x11: {  	_ =	swait.ge @!p0 [sflag:s12], $0x20  }
0x12: {  	[sflag:s12] =	ssyncset.done @!p0 $0x0  }
0x13: {  	[sflag:s12] =	ssyncadd.s32 @!p0 $0xFFFFFFE0;
	s12 =	sand.u32 @!p0 $0x20, s8  }
0x14: {  	(ifvalue) =	ssetifvalue @!p0 $0x7FFFFFFF;
	v0 =	vld.msk @!p0 [tilespmem:s12+$0x0 ss:$0x1], $0xffff;
	_ =	sdelay $0x4  }
0x15: {  	vm0 =	vgt.s32 @!p0 v0, $0x0  }
0x16: {  	v0 =	vnsel @!p0 vm0, $0x0, v0  }
0x17: {  	v0 =	vmin.u32 @!p0 v0, $0x3FFFF;
	_ =	sdelay $0x2  }
0x18: {  	s14 =	simm.s32 @!p0 $0x0  }
0x19: {  	s13 =	sor.u32 @!p0 $0x40, s12;
	(ifvalue) =	ssetifvalue @!p0 $0x7FFFFFFF;
	s15 =	sor.u32 @!p0 $0x10, s12;
	vm0 =	vmmov @!p0 $0xffff  }
0x1a: {  	[tilespmem:s13], [sflag:$0x1] =	stream.indirect_vreg.gather @!p0 [hbm4b:s3+s14], $0x1, v0, vm0, $0x4038;
	[tilespmem:$0x80] =	vst v63  }
0x1b: {  	v0 =	vld.msk @!p0 [tilespmem:s15+$0x0 ss:$0x1], $0xffff;
	_ =	sdelay $0x4  }
0x1c: {  	vm1 =	vgt.s32 @!p0 v0, $0x0  }
0x1d: {  	v0 =	vnsel @!p0 vm1, $0x0, v0  }
0x1e: {  	v0 =	vmin.u32 @!p0 v0, $0x3FFFF;
	_ =	sdelay $0x3  }
0x1f: {  	s12 =	sor.u32 @!p0 $0x50, s12;
	(ifvalue) =	ssetifvalue @!p0 $0x7FFFFFFF  }
0x20: {  	[tilespmem:s12], [sflag:$0x1] =	stream.indirect_vreg.gather @!p0 [hbm4b:s3+s14], $0x1, v0, vm0, $0x4038;
	[tilespmem:$0x80] =	vst v63  }
0x21: {  	s12 =	simm.s32 @!p0 $0x1  }
0x22: {  	_ =	swait.ge @!p0 [sflag:s12], $0x20  }
0x23: {  	s14 =	sshrl.u32 @!p0 s11, $0x3;
	[sflag:s12] =	ssyncset.done @!p0 $0x0  }
0x24: {  	s11 =	sand.u32 @!p0 $0x7, s11;
	[sflag:s12] =	ssyncadd.s32 @!p0 $0xFFFFFFE0;
	s12 =	sadd.s32 @!p0 s6, s14  }
0x25: {  	[hbm4b:s12+s11] =	stream.linear.scatter @!p0 [tilespmem:s13], [sflag:$0x3], $0x20, $0x38;
	[tilespmem:$0x80] =	vst v63  }
0x26: {  	s13 =	sadd.s32 $0x400, s10  }
0x27: {  	p1 =	sgt.s32 s13, $0x7FF  }
0x28: {  	s13 =	smov.u32 @p1 s2;
	p1 =	sne.s32 s9, s7  }
.Ltmp0:
0x29: {  	p0 =	slt.u32 s9, $0x2;
	(pc) =	sbr.rel @p1 .LBB2_1-.Ltmp0, $4  }
0x2a: {  	s12 =	simm.s32 @!p0 $0x3  }
0x2b: {  	_ =	swait.ge @!p0 [sflag:s12], $0x20  }
0x2c: {  	s8 =	sadd.s32 $0x20, s8;
	s11 =	smov.u32 s10;
	[sflag:s12] =	ssyncset.done @!p0 $0x0  }
0x2d: {  	s9 =	sadd.s32 $0x1, s9;
	s10 =	smov.u32 s13;
	[sflag:s12] =	ssyncadd.s32 @!p0 $0xFFFFFFE0  }
0x2e: {  	_ =	sfence.sel $0x180000  }
0x2f: {  	s2 =	simm.s32 $0x2;
	[bflag:$0x0] =	sbarrier.arrive $0xFFFF  }
0x30: {  	s30 =	simm.s32 $0x3;
	[sflag:s2] =	ssyncpa.u1 $0x1  }
0x31: {  	s31 =	simm.s32 $0x1;
	[sflag:s30] =	ssyncpa.u1 $0x1  }
0x32: {  	[sflag:s31] =	ssyncpa.u1 $0x1  }
0x33: {  	p0 =	sne.s32 s0, $0x0;
	_ =	strace $0x9000004A  }
0x34: {  	s0 =	sadd.s32 @!p0 $0x100000, s1;
	[bflag:$0x2] =	sbarrier.arrive $0xFFFF  }
0x35: {  	[sflag:s0] =	ssyncadd.tile.s32 @!p0 $0x1;
	_ =	shalt  }
.Lfunc_end2:
_tile_overlayer_lowered:
.L_overlay_start_2:
0x36: {  	(tag) =	ssettag $0x2  }
0x37: {  	s0 =	rddreg [dreg:$0x0];
	s2 =	stileid.u32  }
0x38: {  	s1 =	rddreg [dreg:$0x1];
	p0 =	sne.s32 s2, $0x0  }
0x39: {  	s3 =	rddreg [dreg:$0x2];
	[bflag:$0x3] =	sbarrier.arrive $0xFFFF;
	s2 =	simm.s32 @!p0 $0x1C01  }
0x3a: {  	[timem:s3], [sflag:s2] =	dma.local @!p0 [hbm:s0], s1  }
0x3b: {  	s0 =	simm.s32 @!p0 $0x1  }
0x3c: {  	_ =	swait.ge @!p0 [sflag:s0], s1  }
0x3d: {  	s1 =	ssub.s32 @!p0 $0x0, s1;
	[sflag:s0] =	ssyncset.done @!p0 $0x0  }
0x3e: {  	[sflag:s0] =	ssyncadd.s32 @!p0 s1  }
0x3f: {  	[bflag:$0x3] =	sbarrier.arrive $0xFFFF  }
0x40: {  	_ =	shalt  }

</sc_bundles>
